<compile_context>
chip_gen: v7x
topology: tpu7x:2x2x1
jax: 0.10.2.dev20260603
libtpu: 0.0.44.dev20260713+nightly
codegen_flags: <defaults>
</compile_context>

<pallas_src>
import functools

import jax
import jax.numpy as jnp
from jax import lax
from jax.experimental import pallas as pl
from jax.experimental.pallas import tpu as pltpu
from jax.experimental.pallas import tpu_sc as plsc

V = 1000
D = 1000
DP = 1024
T = 50
TP = 56
NC, NS = 2, 16
NW = NC * NS
W = 56


@functools.partial(jax.jit, static_argnames=("B",))
def _gather_main(table_p, idx_p, B):
    rows = B * TP
    r_per_w = rows // NW
    n_chunks = r_per_w // W
    mesh = plsc.VectorSubcoreMesh(core_axis_name="c", subcore_axis_name="s")

    @functools.partial(
        pl.kernel,
        mesh=mesh,
        out_type=jax.ShapeDtypeStruct((rows, DP), jnp.float32),
        scratch_types=[
            pltpu.VMEM((r_per_w,), jnp.int32),
            pltpu.VMEM((W, DP), jnp.float32),
            pltpu.VMEM((W, DP), jnp.float32),
            pltpu.SemaphoreType.DMA,
            pltpu.SemaphoreType.DMA,
            pltpu.SemaphoreType.DMA,
            pltpu.SemaphoreType.DMA,
        ],
    )
    def k(table_hbm, idx_hbm, out_hbm, idx_v, buf0, buf1, g0, g1, w0, w1):
        wid = lax.axis_index("s") * NC + lax.axis_index("c")
        base = wid * r_per_w
        pltpu.sync_copy(idx_hbm.at[pl.ds(base, r_per_w)], idx_v)

        def g_start(c, buf, sem):
            pltpu.async_copy(table_hbm.at[idx_v.at[pl.ds(c * W, W)]], buf, sem)

        def g_wait(c, buf, sem):
            pltpu.make_async_copy(
                table_hbm.at[idx_v.at[pl.ds(c * W, W)]], buf, sem
            ).wait()

        def w_start(c, buf, sem):
            pltpu.async_copy(buf, out_hbm.at[pl.ds(base + c * W, W)], sem)

        def w_wait(c, buf, sem):
            pltpu.make_async_copy(
                buf, out_hbm.at[pl.ds(base + c * W, W)], sem
            ).wait()

        g_start(0, buf0, g0)
        g_start(1, buf1, g1)

        @pl.loop(0, n_chunks - 2, step=2)
        def _(c):
            g_wait(c, buf0, g0)
            w_start(c, buf0, w0)
            g_wait(c + 1, buf1, g1)
            w_start(c + 1, buf1, w1)
            w_wait(c, buf0, w0)
            g_start(c + 2, buf0, g0)
            w_wait(c + 1, buf1, w1)
            g_start(c + 3, buf1, g1)

        cl = n_chunks - 2
        g_wait(cl, buf0, g0)
        w_start(cl, buf0, w0)
        g_wait(cl + 1, buf1, g1)
        w_start(cl + 1, buf1, w1)
        w_wait(cl, buf0, w0)
        w_wait(cl + 1, buf1, w1)

    return k(table_p, idx_p)


def kernel(idx, token_emb):
    B, T_ = idx.shape
    idx32 = idx.astype(jnp.int32)
    pad_ix = (
        jnp.arange(B, dtype=jnp.int32)[:, None] * (TP - T)
        + jnp.arange(TP - T, dtype=jnp.int32)[None, :]
    ) % V
    idx_p = jnp.concatenate([idx32, pad_ix], axis=1).reshape(-1)
    table_p = jnp.pad(token_emb, ((0, 0), (0, DP - D)))
    y = _gather_main(table_p, idx_p, B).reshape(B, TP, DP)
    return y[:, :T, :D]

# --- scband reference (transcript-rebuilt; emitter-appended) ---
"""Pipeline reference for scband-bigram-baseline-90391881712469 (READ-ONLY COPY).

The authoritative reference and input builder live on the scoring server;
editing this copy changes nothing except your own understanding.
"""

import jax, jax.numpy as jnp
import numpy as np

VOCAB = 1000
B, T = 4096, 50

def setup_inputs(seed: int = 0) -> dict:
    key = jax.random.key(seed)
    k_idx, k_tab = jax.random.split(key)
    idx = jax.random.randint(k_idx, (B, T), 0, VOCAB, dtype=jnp.int64 if jax.config.jax_enable_x64 else jnp.int32)
    token_emb = jax.random.normal(k_tab, (VOCAB, VOCAB), dtype=jnp.float32)
    return {"idx": idx, "token_emb": token_emb}

def reference(idx, token_emb):
    # nn.Embedding(vocab, vocab)(idx) -> gather rows of the table
    return jnp.take(token_emb, idx, axis=0)

if __name__ == "__main__":
    import jax
    _d = setup_inputs()
    print(jax.jit(kernel)(*tuple(_d.values())))

</pallas_src>

<mosaic_0001>
#map = affine_map<(d0, d1) -> (0, 0)>
#map1 = affine_map<(d0, d1) -> (0)>
module attributes {stable_mosaic.version = 14 : i64} {
  func.func @k(%arg0: i32, %arg1: i32, %arg2: memref<1000x1024xf32, #tpu.memory_space<hbm>>, %arg3: memref<229376xi32, #tpu.memory_space<hbm>>, %arg4: memref<229376x1024xf32, #tpu.memory_space<hbm>>, %arg5: memref<7168xi32, #tpu.memory_space<vmem>>, %arg6: memref<56x1024xf32, #tpu.memory_space<vmem>>, %arg7: memref<56x1024xf32, #tpu.memory_space<vmem>>, %arg8: memref<!tpu.dma_semaphore, #tpu.memory_space<semaphore_mem>>, %arg9: memref<!tpu.dma_semaphore, #tpu.memory_space<semaphore_mem>>, %arg10: memref<!tpu.dma_semaphore, #tpu.memory_space<semaphore_mem>>, %arg11: memref<!tpu.dma_semaphore, #tpu.memory_space<semaphore_mem>>) attributes {dimension_semantics = [#tpu.dimension_semantics<core_parallel>, #tpu.dimension_semantics<subcore_parallel>], iteration_bounds = array<i64: 2, 16>, scalar_prefetch = 0 : i64, scratch_operands = 7 : i64, tpu.core_type = #tpu.core_type<sc_vector_subcore>, window_params = [{transform_indices = #map}, {transform_indices = #map1}, {transform_indices = #map}]} {
    %mul3A = arith.constant 2 : i32
    %mul3A_0 = arith.muli %arg1, %mul3A : i32
    %add3A = arith.addi %mul3A_0, %arg0 : i32
    %mul3A_1 = arith.constant 7168 : i32
    %mul3A_2 = arith.muli %add3A, %mul3A_1 : i32
    "tpu.region"() ({
      %run_scoped3A = tpu.sem_alloc : memref<!tpu.dma_semaphore, #tpu.memory_space<semaphore_mem>>
      %dma_start3A_49 = tpu.memref_slice %arg3[%mul3A_2] : memref<229376xi32, #tpu.memory_space<hbm>> -> memref<7168xi32, #tpu.memory_space<hbm>>
      %dma_start3A_50 = tpu.memref_slice %arg3[%mul3A_2] : memref<229376xi32, #tpu.memory_space<hbm>> -> memref<7168xi32, #tpu.memory_space<hbm>>
      tpu.enqueue_dma source(%dma_start3A_50 : memref<7168xi32, #tpu.memory_space<hbm>>) target(%arg5 : memref<7168xi32, #tpu.memory_space<vmem>>) target_semaphore(%run_scoped3A : memref<!tpu.dma_semaphore, #tpu.memory_space<semaphore_mem>>)
      %dma_wait3A_51 = tpu.memref_slice %arg3[%mul3A_2] : memref<229376xi32, #tpu.memory_space<hbm>> -> memref<7168xi32, #tpu.memory_space<hbm>>
      %dma_wait3A_52 = tpu.memref_slice %arg3[%mul3A_2] : memref<229376xi32, #tpu.memory_space<hbm>> -> memref<7168xi32, #tpu.memory_space<hbm>>
      tpu.wait_dma2 semaphore(%run_scoped3A : memref<!tpu.dma_semaphore, #tpu.memory_space<semaphore_mem>>) src(%dma_wait3A_52 : memref<7168xi32, #tpu.memory_space<hbm>>) dst(%arg5 : memref<7168xi32, #tpu.memory_space<vmem>>)
      tpu.yield
    }) : () -> ()
    %dma_start3A = arith.constant 0 : i32
    %dma_start3A_3 = tpu.memref_slice %arg5[%dma_start3A] : memref<7168xi32, #tpu.memory_space<vmem>> -> memref<56xi32, #tpu.memory_space<vmem>>
    %dma_start3A_4 = arith.constant 0 : i32
    %dma_start3A_5 = arith.constant 0 : i32
    %dma_start3A_6 = tpu.memref_slice %arg2[%dma_start3A_4, %dma_start3A_5] : memref<1000x1024xf32, #tpu.memory_space<hbm>> -> memref<1000x1024xf32, #tpu.memory_space<hbm>>
    tpu.enqueue_indirect_dma source(%dma_start3A_6 : memref<1000x1024xf32, #tpu.memory_space<hbm>>) target(%arg6 : memref<56x1024xf32, #tpu.memory_space<vmem>>) offsets(%dma_start3A_3 : memref<56xi32, #tpu.memory_space<vmem>>) semaphore(%arg8 : memref<!tpu.dma_semaphore, #tpu.memory_space<semaphore_mem>>)
    %dma_start3A_7 = arith.constant 56 : i32
    %dma_start3A_8 = tpu.memref_slice %arg5[%dma_start3A_7] : memref<7168xi32, #tpu.memory_space<vmem>> -> memref<56xi32, #tpu.memory_space<vmem>>
    %dma_start3A_9 = arith.constant 0 : i32
    %dma_start3A_10 = arith.constant 0 : i32
    %dma_start3A_11 = tpu.memref_slice %arg2[%dma_start3A_9, %dma_start3A_10] : memref<1000x1024xf32, #tpu.memory_space<hbm>> -> memref<1000x1024xf32, #tpu.memory_space<hbm>>
    tpu.enqueue_indirect_dma source(%dma_start3A_11 : memref<1000x1024xf32, #tpu.memory_space<hbm>>) target(%arg7 : memref<56x1024xf32, #tpu.memory_space<vmem>>) offsets(%dma_start3A_8 : memref<56xi32, #tpu.memory_space<vmem>>) semaphore(%arg9 : memref<!tpu.dma_semaphore, #tpu.memory_space<semaphore_mem>>)
    %scan3A = arith.constant 0 : i32
    %scan3A_12 = arith.constant 63 : i32
    %scan3A_13 = arith.addi %scan3A, %scan3A_12 : i32
    %scan3A_14 = arith.constant 1 : i32
    scf.for %scan3A_49 = %scan3A to %scan3A_13 step %scan3A_14  : i32 {
      %mul3A_50 = arith.constant 2 : i32
      %mul3A_51 = arith.muli %scan3A_49, %mul3A_50 : i32
      %add3A_52 = arith.constant 0 : i32
      %add3A_53 = arith.addi %add3A_52, %mul3A_51 : i32
      %mul3A_54 = arith.constant 56 : i32
      %mul3A_55 = arith.muli %add3A_53, %mul3A_54 : i32
      %dma_wait3A_56 = tpu.memref_slice %arg5[%mul3A_55] : memref<7168xi32, #tpu.memory_space<vmem>> -> memref<56xi32, #tpu.memory_space<vmem>>
      %dma_wait3A_57 = arith.constant 0 : i32
      %dma_wait3A_58 = arith.constant 0 : i32
      %dma_wait3A_59 = tpu.memref_slice %arg2[%dma_wait3A_57, %dma_wait3A_58] : memref<1000x1024xf32, #tpu.memory_space<hbm>> -> memref<1000x1024xf32, #tpu.memory_space<hbm>>
      tpu.wait_indirect_dma semaphore(%arg8 : memref<!tpu.dma_semaphore, #tpu.memory_space<semaphore_mem>>) src(%dma_wait3A_59 : memref<1000x1024xf32, #tpu.memory_space<hbm>>) dst(%arg6 : memref<56x1024xf32, #tpu.memory_space<vmem>>)
      %mul3A_60 = arith.constant 56 : i32
      %mul3A_61 = arith.muli %add3A_53, %mul3A_60 : i32
      %add3A_62 = arith.addi %mul3A_2, %mul3A_61 : i32
      %dma_start3A_63 = arith.constant 0 : i32
      %dma_start3A_64 = tpu.memref_slice %arg4[%add3A_62, %dma_start3A_63] : memref<229376x1024xf32, #tpu.memory_space<hbm>> -> memref<56x1024xf32, #tpu.memory_space<hbm>>
      %dma_start3A_65 = arith.constant 0 : i32
      %dma_start3A_66 = tpu.memref_slice %arg4[%add3A_62, %dma_start3A_65] : memref<229376x1024xf32, #tpu.memory_space<hbm>> -> memref<56x1024xf32, #tpu.memory_space<hbm>>
      tpu.enqueue_dma source(%arg6 : memref<56x1024xf32, #tpu.memory_space<vmem>>) target(%dma_start3A_66 : memref<56x1024xf32, #tpu.memory_space<hbm>>) target_semaphore(%arg10 : memref<!tpu.dma_semaphore, #tpu.memory_space<semaphore_mem>>)
      %add3A_67 = arith.constant 1 : i32
      %add3A_68 = arith.addi %add3A_53, %add3A_67 : i32
      %mul3A_69 = arith.constant 56 : i32
      %mul3A_70 = arith.muli %add3A_68, %mul3A_69 : i32
      %dma_wait3A_71 = tpu.memref_slice %arg5[%mul3A_70] : memref<7168xi32, #tpu.memory_space<vmem>> -> memref<56xi32, #tpu.memory_space<vmem>>
      %dma_wait3A_72 = arith.constant 0 : i32
      %dma_wait3A_73 = arith.constant 0 : i32
      %dma_wait3A_74 = tpu.memref_slice %arg2[%dma_wait3A_72, %dma_wait3A_73] : memref<1000x1024xf32, #tpu.memory_space<hbm>> -> memref<1000x1024xf32, #tpu.memory_space<hbm>>
      tpu.wait_indirect_dma semaphore(%arg9 : memref<!tpu.dma_semaphore, #tpu.memory_space<semaphore_mem>>) src(%dma_wait3A_74 : memref<1000x1024xf32, #tpu.memory_space<hbm>>) dst(%arg7 : memref<56x1024xf32, #tpu.memory_space<vmem>>)
      %add3A_75 = arith.constant 1 : i32
      %add3A_76 = arith.addi %add3A_53, %add3A_75 : i32
      %mul3A_77 = arith.constant 56 : i32
      %mul3A_78 = arith.muli %add3A_76, %mul3A_77 : i32
      %add3A_79 = arith.addi %mul3A_2, %mul3A_78 : i32
      %dma_start3A_80 = arith.constant 0 : i32
      %dma_start3A_81 = tpu.memref_slice %arg4[%add3A_79, %dma_start3A_80] : memref<229376x1024xf32, #tpu.memory_space<hbm>> -> memref<56x1024xf32, #tpu.memory_space<hbm>>
      %dma_start3A_82 = arith.constant 0 : i32
      %dma_start3A_83 = tpu.memref_slice %arg4[%add3A_79, %dma_start3A_82] : memref<229376x1024xf32, #tpu.memory_space<hbm>> -> memref<56x1024xf32, #tpu.memory_space<hbm>>
      tpu.enqueue_dma source(%arg7 : memref<56x1024xf32, #tpu.memory_space<vmem>>) target(%dma_start3A_83 : memref<56x1024xf32, #tpu.memory_space<hbm>>) target_semaphore(%arg11 : memref<!tpu.dma_semaphore, #tpu.memory_space<semaphore_mem>>)
      %mul3A_84 = arith.constant 56 : i32
      %mul3A_85 = arith.muli %add3A_53, %mul3A_84 : i32
      %add3A_86 = arith.addi %mul3A_2, %mul3A_85 : i32
      %dma_wait3A_87 = arith.constant 0 : i32
      %dma_wait3A_88 = tpu.memref_slice %arg4[%add3A_86, %dma_wait3A_87] : memref<229376x1024xf32, #tpu.memory_space<hbm>> -> memref<56x1024xf32, #tpu.memory_space<hbm>>
      %dma_wait3A_89 = arith.constant 0 : i32
      %dma_wait3A_90 = tpu.memref_slice %arg4[%add3A_86, %dma_wait3A_89] : memref<229376x1024xf32, #tpu.memory_space<hbm>> -> memref<56x1024xf32, #tpu.memory_space<hbm>>
      tpu.wait_dma2 semaphore(%arg10 : memref<!tpu.dma_semaphore, #tpu.memory_space<semaphore_mem>>) src(%arg6 : memref<56x1024xf32, #tpu.memory_space<vmem>>) dst(%dma_wait3A_90 : memref<56x1024xf32, #tpu.memory_space<hbm>>)
      %add3A_91 = arith.constant 2 : i32
      %add3A_92 = arith.addi %add3A_53, %add3A_91 : i32
      %mul3A_93 = arith.constant 56 : i32
      %mul3A_94 = arith.muli %add3A_92, %mul3A_93 : i32
      %dma_start3A_95 = tpu.memref_slice %arg5[%mul3A_94] : memref<7168xi32, #tpu.memory_space<vmem>> -> memref<56xi32, #tpu.memory_space<vmem>>
      %dma_start3A_96 = arith.constant 0 : i32
      %dma_start3A_97 = arith.constant 0 : i32
      %dma_start3A_98 = tpu.memref_slice %arg2[%dma_start3A_96, %dma_start3A_97] : memref<1000x1024xf32, #tpu.memory_space<hbm>> -> memref<1000x1024xf32, #tpu.memory_space<hbm>>
      tpu.enqueue_indirect_dma source(%dma_start3A_98 : memref<1000x1024xf32, #tpu.memory_space<hbm>>) target(%arg6 : memref<56x1024xf32, #tpu.memory_space<vmem>>) offsets(%dma_start3A_95 : memref<56xi32, #tpu.memory_space<vmem>>) semaphore(%arg8 : memref<!tpu.dma_semaphore, #tpu.memory_space<semaphore_mem>>)
      %add3A_99 = arith.constant 1 : i32
      %add3A_100 = arith.addi %add3A_53, %add3A_99 : i32
      %mul3A_101 = arith.constant 56 : i32
      %mul3A_102 = arith.muli %add3A_100, %mul3A_101 : i32
      %add3A_103 = arith.addi %mul3A_2, %mul3A_102 : i32
      %dma_wait3A_104 = arith.constant 0 : i32
      %dma_wait3A_105 = tpu.memref_slice %arg4[%add3A_103, %dma_wait3A_104] : memref<229376x1024xf32, #tpu.memory_space<hbm>> -> memref<56x1024xf32, #tpu.memory_space<hbm>>
      %dma_wait3A_106 = arith.constant 0 : i32
      %dma_wait3A_107 = tpu.memref_slice %arg4[%add3A_103, %dma_wait3A_106] : memref<229376x1024xf32, #tpu.memory_space<hbm>> -> memref<56x1024xf32, #tpu.memory_space<hbm>>
      tpu.wait_dma2 semaphore(%arg11 : memref<!tpu.dma_semaphore, #tpu.memory_space<semaphore_mem>>) src(%arg7 : memref<56x1024xf32, #tpu.memory_space<vmem>>) dst(%dma_wait3A_107 : memref<56x1024xf32, #tpu.memory_space<hbm>>)
      %add3A_108 = arith.constant 3 : i32
      %add3A_109 = arith.addi %add3A_53, %add3A_108 : i32
      %mul3A_110 = arith.constant 56 : i32
      %mul3A_111 = arith.muli %add3A_109, %mul3A_110 : i32
      %dma_start3A_112 = tpu.memref_slice %arg5[%mul3A_111] : memref<7168xi32, #tpu.memory_space<vmem>> -> memref<56xi32, #tpu.memory_space<vmem>>
      %dma_start3A_113 = arith.constant 0 : i32
      %dma_start3A_114 = arith.constant 0 : i32
      %dma_start3A_115 = tpu.memref_slice %arg2[%dma_start3A_113, %dma_start3A_114] : memref<1000x1024xf32, #tpu.memory_space<hbm>> -> memref<1000x1024xf32, #tpu.memory_space<hbm>>
      tpu.enqueue_indirect_dma source(%dma_start3A_115 : memref<1000x1024xf32, #tpu.memory_space<hbm>>) target(%arg7 : memref<56x1024xf32, #tpu.memory_space<vmem>>) offsets(%dma_start3A_112 : memref<56xi32, #tpu.memory_space<vmem>>) semaphore(%arg9 : memref<!tpu.dma_semaphore, #tpu.memory_space<semaphore_mem>>)
    }
    %scan3A_15 = arith.constant 63 : i32
    %dma_wait3A = arith.constant 7056 : i32
    %dma_wait3A_16 = tpu.memref_slice %arg5[%dma_wait3A] : memref<7168xi32, #tpu.memory_space<vmem>> -> memref<56xi32, #tpu.memory_space<vmem>>
    %dma_wait3A_17 = arith.constant 0 : i32
    %dma_wait3A_18 = arith.constant 0 : i32
    %dma_wait3A_19 = tpu.memref_slice %arg2[%dma_wait3A_17, %dma_wait3A_18] : memref<1000x1024xf32, #tpu.memory_space<hbm>> -> memref<1000x1024xf32, #tpu.memory_space<hbm>>
    tpu.wait_indirect_dma semaphore(%arg8 : memref<!tpu.dma_semaphore, #tpu.memory_space<semaphore_mem>>) src(%dma_wait3A_19 : memref<1000x1024xf32, #tpu.memory_space<hbm>>) dst(%arg6 : memref<56x1024xf32, #tpu.memory_space<vmem>>)
    %add3A_20 = arith.constant 7056 : i32
    %add3A_21 = arith.addi %mul3A_2, %add3A_20 : i32
    %dma_start3A_22 = arith.constant 0 : i32
    %dma_start3A_23 = tpu.memref_slice %arg4[%add3A_21, %dma_start3A_22] : memref<229376x1024xf32, #tpu.memory_space<hbm>> -> memref<56x1024xf32, #tpu.memory_space<hbm>>
    %dma_start3A_24 = arith.constant 0 : i32
    %dma_start3A_25 = tpu.memref_slice %arg4[%add3A_21, %dma_start3A_24] : memref<229376x1024xf32, #tpu.memory_space<hbm>> -> memref<56x1024xf32, #tpu.memory_space<hbm>>
    tpu.enqueue_dma source(%arg6 : memref<56x1024xf32, #tpu.memory_space<vmem>>) target(%dma_start3A_25 : memref<56x1024xf32, #tpu.memory_space<hbm>>) target_semaphore(%arg10 : memref<!tpu.dma_semaphore, #tpu.memory_space<semaphore_mem>>)
    %dma_wait3A_26 = arith.constant 7112 : i32
    %dma_wait3A_27 = tpu.memref_slice %arg5[%dma_wait3A_26] : memref<7168xi32, #tpu.memory_space<vmem>> -> memref<56xi32, #tpu.memory_space<vmem>>
    %dma_wait3A_28 = arith.constant 0 : i32
    %dma_wait3A_29 = arith.constant 0 : i32
    %dma_wait3A_30 = tpu.memref_slice %arg2[%dma_wait3A_28, %dma_wait3A_29] : memref<1000x1024xf32, #tpu.memory_space<hbm>> -> memref<1000x1024xf32, #tpu.memory_space<hbm>>
    tpu.wait_indirect_dma semaphore(%arg9 : memref<!tpu.dma_semaphore, #tpu.memory_space<semaphore_mem>>) src(%dma_wait3A_30 : memref<1000x1024xf32, #tpu.memory_space<hbm>>) dst(%arg7 : memref<56x1024xf32, #tpu.memory_space<vmem>>)
    %add3A_31 = arith.constant 7112 : i32
    %add3A_32 = arith.addi %mul3A_2, %add3A_31 : i32
    %dma_start3A_33 = arith.constant 0 : i32
    %dma_start3A_34 = tpu.memref_slice %arg4[%add3A_32, %dma_start3A_33] : memref<229376x1024xf32, #tpu.memory_space<hbm>> -> memref<56x1024xf32, #tpu.memory_space<hbm>>
    %dma_start3A_35 = arith.constant 0 : i32
    %dma_start3A_36 = tpu.memref_slice %arg4[%add3A_32, %dma_start3A_35] : memref<229376x1024xf32, #tpu.memory_space<hbm>> -> memref<56x1024xf32, #tpu.memory_space<hbm>>
    tpu.enqueue_dma source(%arg7 : memref<56x1024xf32, #tpu.memory_space<vmem>>) target(%dma_start3A_36 : memref<56x1024xf32, #tpu.memory_space<hbm>>) target_semaphore(%arg11 : memref<!tpu.dma_semaphore, #tpu.memory_space<semaphore_mem>>)
    %add3A_37 = arith.constant 7056 : i32
    %add3A_38 = arith.addi %mul3A_2, %add3A_37 : i32
    %dma_wait3A_39 = arith.constant 0 : i32
    %dma_wait3A_40 = tpu.memref_slice %arg4[%add3A_38, %dma_wait3A_39] : memref<229376x1024xf32, #tpu.memory_space<hbm>> -> memref<56x1024xf32, #tpu.memory_space<hbm>>
    %dma_wait3A_41 = arith.constant 0 : i32
    %dma_wait3A_42 = tpu.memref_slice %arg4[%add3A_38, %dma_wait3A_41] : memref<229376x1024xf32, #tpu.memory_space<hbm>> -> memref<56x1024xf32, #tpu.memory_space<hbm>>
    tpu.wait_dma2 semaphore(%arg10 : memref<!tpu.dma_semaphore, #tpu.memory_space<semaphore_mem>>) src(%arg6 : memref<56x1024xf32, #tpu.memory_space<vmem>>) dst(%dma_wait3A_42 : memref<56x1024xf32, #tpu.memory_space<hbm>>)
    %add3A_43 = arith.constant 7112 : i32
    %add3A_44 = arith.addi %mul3A_2, %add3A_43 : i32
    %dma_wait3A_45 = arith.constant 0 : i32
    %dma_wait3A_46 = tpu.memref_slice %arg4[%add3A_44, %dma_wait3A_45] : memref<229376x1024xf32, #tpu.memory_space<hbm>> -> memref<56x1024xf32, #tpu.memory_space<hbm>>
    %dma_wait3A_47 = arith.constant 0 : i32
    %dma_wait3A_48 = tpu.memref_slice %arg4[%add3A_44, %dma_wait3A_47] : memref<229376x1024xf32, #tpu.memory_space<hbm>> -> memref<56x1024xf32, #tpu.memory_space<hbm>>
    tpu.wait_dma2 semaphore(%arg11 : memref<!tpu.dma_semaphore, #tpu.memory_space<semaphore_mem>>) src(%arg7 : memref<56x1024xf32, #tpu.memory_space<vmem>>) dst(%dma_wait3A_48 : memref<56x1024xf32, #tpu.memory_space<hbm>>)
    return
  }
}

</mosaic_0001>

<sc_bundles>
// kernel: _gather_main.3.cloned.1.call-start
scs
__scs_entry_jumppad:
0x0: {  	(pc) =	sbr.rel $0x88, $3  }
0x1: {  	(tag) =	ssettag $0x0;
	lr =	simm.s32 $0x1  }
0x2: {  	[smem:$0x3F9F] =	sst lr;
	_ =	strace $0xD0000000  }
0x3: {  	_ = 	snop  }
0x4: {  	_ = 	snop  }
0x5: {  	_ = 	snop  }
0x6: {  	_ = 	snop  }
0x7: {  	_ = 	snop  }
__scs_overlays_trampoline_lowered:
0x8: {  	[smem:$0x3FAE] =	sst s0  }
0x9: {  	[smem:$0x3FAF] =	sst s1  }
0xa: {  	[smem:$0x3FB0] =	sst s2  }
0xb: {  	[smem:$0x3FB1] =	sst s3  }
0xc: {  	[smem:$0x3FB2] =	sst s4  }
0xd: {  	[smem:$0x3FB3] =	sst s5  }
0xe: {  	[smem:$0x3FB4] =	sst s6  }
0xf: {  	[smem:$0x3FB5] =	sst s7  }
0x10: {  	[smem:$0x3FB6] =	sst s8  }
0x11: {  	[smem:$0x3FB7] =	sst s9;
	s0 =	simm.s32 @!p0 $0x0  }
0x12: {  	s1 =	sld [smem:$0x3F9D];
	s0 =	simm.s32 @p0 $0x1  }
0x13: {  	[smem:$0x3FB8] =	sst s0;
	s0 =	simm.s32 @!p1 $0x0  }
0x14: {  	s2 =	sld [smem:$0x3F9C];
	s0 =	simm.s32 @p1 $0x1  }
0x15: {  	[smem:$0x3FB9] =	sst s0;
	s0 =	simm.s32 @!p2 $0x0  }
0x16: {  	s3 =	sld [smem:$0x3FDB];
	s0 =	simm.s32 @p2 $0x1  }
0x17: {  	s4 =	simm.s32 $0x1BF5;
	[smem:$0x3FBB] =	sst s0  }
0x18: {  	s0 =	sld [smem:$0x3F9E];
	_ =	swait.ge [sflag:s4], $0x0  }
0x19: {  	s7 =	sld [smem:$0x3F9F]  }
0x1a: {  	s8 =	sadd.s32 $0xFFFFE003, lr  }
0x1b: {  	s9 =	sadd.s32 $0xFFFFFEF7, lr;
	s5 =	simm.s32 $0xFFFFFFFF;
	p2 =	slt.u32 s8, $0xFFFFF086  }
0x1c: {  	p1 =	slt.u32 s9, $0xF7A;
	s5 =	simm.s32 @!p2 $0x0  }
0x1d: {  	s5 =	simm.s32 @p1 $0x1;
	p0 =	seq.s32 s7, s2  }
0x1e: {  	s7 =	smul.u32 @!p0 $0xF7A, s2;
	p2 =	seq.s32 @!p0 s5, $0x0  }
0x1f: {  	s9 =	smul.u32 $0xF7A, s1;
	s8 =	simm.s32 @!p0 $0x1BF5;
	p2 =	por !p2, p0  }
0x20: {  	[sflag:s8] =	ssyncset.s32 @!p0 $0xFFFFF086;
	s6 =	sadd.s32 @!p0 s3, s7;
	s7 =	simm.s32 @!p0 $0x108  }
0x21: {  	s3 =	sadd.s32 s3, s9;
	s6 =	sadd.s32 @!p0 $0x88, s6;
	s7 =	simm.s32 @p2 $0x1082  }
0x22: {  	[simem:s7], [sflag:s8] =	dma.local @!p0 [hbm:s6], $0xF7A  }
0x23: {  	s9 =	sor.u32 $0xD0000000, s2;
	s6 =	simm.s32 $0x108;
	_ =	swait.ge @!p0 [sflag:s8], $0x0  }
0x24: {  	s3 =	sadd.s32 $0x88, s3;
	s6 =	simm.s32 @!p1 $0x1082;
	[sflag:s4] =	ssyncset.s32 $0xFFFFF086  }
0x25: {  	[simem:s6], [sflag:s4] =	dma.local [hbm:s3], $0xF7A  }
0x26: {  	[smem:$0x3F9F] =	sst s1;
	(tag) =	ssettag s2;
	_ =	strace s9  }
0x27: {  	s1 =	sld [smem:$0x3FAF]  }
0x28: {  	s2 =	sld [smem:$0x3FB0]  }
0x29: {  	s4 =	sld [smem:$0x3FB2]  }
0x2a: {  	p0 =	seq.s32 s5, $0x0;
	s5 =	sld [smem:$0x3FB3]  }
0x2b: {  	s6 =	sld [smem:$0x3FB4]  }
0x2c: {  	s7 =	sld [smem:$0x3FB5]  }
0x2d: {  	s3 =	simm.s32 $0x108;
	s8 =	sld [smem:$0x3FB6]  }
0x2e: {  	s3 =	simm.s32 @!p0 $0x1082;
	s9 =	sld [smem:$0x3FB7]  }
0x2f: {  	lr =	sadd.s32 s0, s3;
	s0 =	sld [smem:$0x3FAE]  }
0x30: {  	s3 =	sld [smem:$0x3FB1]  }
0x31: {  	[smem:$0x3FBA] =	sst s10  }
0x32: {  	s10 =	sld [smem:$0x3FB8];
	_ =	sdelay $0x3  }
0x33: {  	p0 =	seq.s32 s10, $0x1;
	s10 =	sld [smem:$0x3FBA];
	_ =	sdelay $0x3  }
0x34: {  	[smem:$0x3FBA] =	sst s10  }
0x35: {  	s10 =	sld [smem:$0x3FB9];
	_ =	sdelay $0x3  }
0x36: {  	p1 =	seq.s32 s10, $0x1;
	s10 =	sld [smem:$0x3FBA];
	_ =	sdelay $0x3  }
0x37: {  	[smem:$0x3FBA] =	sst s10  }
0x38: {  	s10 =	sld [smem:$0x3FBB]  }
0x39: {  	_ = 	snop;
	(pc) =	sbr.ind lr, $3  }
0x3a: {  	_ = 	snop  }
0x3b: {  	_ = 	snop  }
0x3c: {  	p2 =	seq.s32 s10, $0x1;
	s10 =	sld [smem:$0x3FBA]  }
0x3d: {  	_ =	shalt  }
0x3e: {  	_ =	shalt  }
0x3f: {  	_ =	shalt  }
0x40: {  	_ =	shalt  }
0x41: {  	_ =	shalt  }
0x42: {  	_ =	shalt  }
0x43: {  	_ =	shalt  }
0x44: {  	_ =	shalt  }
0x45: {  	_ =	shalt  }
0x46: {  	_ =	shalt  }
0x47: {  	_ =	shalt  }
0x48: {  	_ =	shalt  }
0x49: {  	_ =	shalt  }
0x4a: {  	_ =	shalt  }
0x4b: {  	_ =	shalt  }
0x4c: {  	_ =	shalt  }
0x4d: {  	_ =	shalt  }
0x4e: {  	_ =	shalt  }
0x4f: {  	_ =	shalt  }
0x50: {  	_ =	shalt  }
0x51: {  	_ =	shalt  }
0x52: {  	_ =	shalt  }
0x53: {  	_ =	shalt  }
0x54: {  	_ =	shalt  }
0x55: {  	_ =	shalt  }
0x56: {  	_ =	shalt  }
0x57: {  	_ =	shalt  }
0x58: {  	_ =	shalt  }
0x59: {  	_ =	shalt  }
0x5a: {  	_ =	shalt  }
0x5b: {  	_ =	shalt  }
0x5c: {  	_ =	shalt  }
0x5d: {  	_ =	shalt  }
0x5e: {  	_ =	shalt  }
0x5f: {  	_ =	shalt  }
0x60: {  	_ =	shalt  }
0x61: {  	_ =	shalt  }
0x62: {  	_ =	shalt  }
0x63: {  	_ =	shalt  }
0x64: {  	_ =	shalt  }
0x65: {  	_ =	shalt  }
0x66: {  	_ =	shalt  }
0x67: {  	_ =	shalt  }
0x68: {  	_ =	shalt  }
0x69: {  	_ =	shalt  }
0x6a: {  	_ =	shalt  }
0x6b: {  	_ =	shalt  }
0x6c: {  	_ =	shalt  }
0x6d: {  	_ =	shalt  }
0x6e: {  	_ =	shalt  }
0x6f: {  	_ =	shalt  }
0x70: {  	_ =	shalt  }
0x71: {  	_ =	shalt  }
0x72: {  	_ =	shalt  }
0x73: {  	_ =	shalt  }
0x74: {  	_ =	shalt  }
0x75: {  	_ =	shalt  }
0x76: {  	_ =	shalt  }
0x77: {  	_ =	shalt  }
0x78: {  	_ =	shalt  }
0x79: {  	_ =	shalt  }
0x7a: {  	_ =	shalt  }
0x7b: {  	_ =	shalt  }
0x7c: {  	_ =	shalt  }
0x7d: {  	_ =	shalt  }
0x7e: {  	_ =	shalt  }
0x7f: {  	_ =	shalt  }
0x80: {  	_ =	shalt  }
0x81: {  	_ =	shalt  }
0x82: {  	_ =	shalt  }
0x83: {  	_ =	shalt  }
0x84: {  	_ =	shalt  }
0x85: {  	_ =	shalt  }
0x86: {  	_ =	shalt  }
0x87: {  	_ =	shalt  }
.Lfunc_end0:
.L_simem_size_0:
called_computation_lowered:
.L_overlay_start_0:
0x88: {  	s2 =	sld [smem:$0x3FD9]  }
0x89: {  	s3 =	sld [smem:$0x3FFE];
	_ =	sdelay $0x1  }
0x8a: {  	s1 =	srdreg.scid  }
0x8b: {  	s0 =	sand.u32 $0x1, s1  }
0x8c: {  	s18 =	sshll.u32 s0, $0xA;
	s2 =	sadd.s32 s3, s2  }
0x8d: {  	s2 =	sadd.s32 s2, s18  }
0x8e: {  	[smem:$0x3FC6] =	sst s2  }
0x8f: {  	_ = 	snop  }
0x90: {  	s2 =	sld [smem:$0x3FC9]  }
0x91: {  	s19 =	sld [smem:$0x3FC8]  }
0x92: {  	s4 =	sld [smem:$0x3FD0];
	(tm) =	ssettm $0x1  }
0x93: {  	s5 =	sld [smem:$0x3FFB];
	_ =	sdelay $0x3  }
0x94: {  	_ =	strace s5  }
0x95: {  	s5 =	sld [smem:$0x3FFC];
	_ =	sdelay $0x3  }
0x96: {  	_ =	strace s5  }
0x97: {  	s5 =	sld [smem:$0x3FFD];
	_ =	sdelay $0x3  }
0x98: {  	_ =	strace s5  }
0x99: {  	_ =	strace $0x8FFFFFFF  }
0x9a: {  	s20 =	sld [smem:$0x3FDB];
	_ =	sdelay $0x1  }
0x9b: {  	s6 =	simm.s32 $_scs_section_size  }
0x9c: {  	s7 =	simm.s32 $_size__tile_overlayer_lowered;
	s8 =	simm.s32 $_tile_overlayer_lowered  }
0x9d: {  	s23 =	simm.s32 $0x1BFF;
	s22 =	sshll.u32 s8, $0x1;
	s5 =	sadd.s32 s6, s20  }
0x9e: {  	s9 =	simm.s32 $0x0;
	s21 =	sshll.u32 s7, $0x1;
	s7 =	sadd.s32 s22, s5  }
0x9f: {  	[timem:s9], [sflag:s23] =	dma.local [hbm:s7], s21  }
0xa0: {  	_ =	swait.ge [sflag:s23], s21  }
0xa1: {  	s6 =	ssub.s32 $0x0, s21;
	[sflag:s23] =	ssyncset.done $0x0  }
0xa2: {  	[sflag:s23] =	ssyncadd.s32 s6;
	_ =	sdelay $0x1  }
0xa3: {  	s24 =	simm.s32 $0x1B8B  }
0xa4: {  	_ =	swait.ge [sflag:s24], $0x1  }
0xa5: {  	[sflag:s24] =	ssyncset.done $0x0  }
0xa6: {  	s25 =	simm.s32 $0x1B8E;
	[sflag:s24] =	ssyncadd.s32 $0xFFFFFFFF  }
0xa7: {  	s26 =	simm.s32 $execute0_lowered;
	[smem:$0x3FD2] =	sst s25  }
0xa8: {  	s6 =	sshll.u32 s26, $0x1;
	_ =	strace $0x80000046;
	[dreg:$0x1] =	wrdreg $0xFFFFFFFF  }
0xa9: {  	s28 =	simm.s32 $_size_execute0_lowered;
	s5 =	sadd.s32 s5, s6;
	[dreg:$0x0] =	wrdreg $0x0  }
0xaa: {  	s6 =	sshll.u32 s28, $0x1;
	[dreg:$0x2] =	wrdreg s5  }
0xab: {  	[dreg:$0x3] =	wrdreg s6  }
0xac: {  	[dreg:$0x4] =	wrdreg $0xC0  }
0xad: {  	_ =	task [dreg:s9], $0x5FFFF  }
0xae: {  	[dreg:$0x1] =	wrdreg $0xFFFFFFFF  }
0xaf: {  	[dreg:$0x0] =	wrdreg $0x60  }
0xb0: {  	[dreg:$0x2] =	wrdreg s2  }
0xb1: {  	[dreg:$0x3] =	wrdreg s19  }
0xb2: {  	[dreg:$0x4] =	wrdreg s4  }
0xb3: {  	[dreg:$0x5] =	wrdreg $0x9  }
0xb4: {  	_ =	task.clear_ibuf [dreg:s9], $0x6FFFF;
	_ =	strace $0x90000046  }
0xb5: {  	s29 =	simm.s32 $0x9;
	_ =	strace $0x80000048  }
0xb6: {  	_ =	swait.ge [sflag:s29], $0x1  }
0xb7: {  	[sflag:s29] =	ssyncadd.s32 $0xFFFFFFFF  }
0xb8: {  	_ =	strace $0x90000048  }
0xb9: {  	_ =	sfence  }
0xba: {  	s30 =	sld [smem:$0x0];
	_ =	sdelay $0x2  }
0xbb: {  	s31 =	sshll.u32 s1, $0xD;
	s1 =	sshrl.u32 s1, $0x2  }
0xbc: {  	s3 =	sand.u32 $0x4000, s31;
	s1 =	sadd.s32 s1, s30  }
0xbd: {  	s0 =	sor.u32 s3, s0;
	s1 =	sshll.u32 s1, $0x11  }
0xbe: {  	s0 =	sor.u32 s1, s0  }
0xbf: {  	s0 =	sadd.s32 $0x8F2B, s0  }
0xc0: {  	[sflag:s0] =	ssyncadd.remote.s32 $0x1  }
0xc1: {  	_ =	sfence.sel $0xFFFF  }
0xc2: {  	[dreg:$0x0] =	wrdreg $0xFFFFFFFF;
	(pc) =	sbr.abs _section_cstart, $3  }
0xc3: {  	[dreg:$0x1] =	wrdreg $0xFFFFFFFF  }
0xc4: {  	_ =	task.clear_ibuf [dreg:s9], $0x2FFFF;
	_ =	strace $0x9FFFFFFF  }
0xc5: {  	(tm) =	ssettm $0x7FFFFFFF  }
tec
execute0_lowered:
.L_overlay_start_1:
0x0: {  	(tag) =	ssettag $0x1  }
0x1: {  	s1 =	rddreg [dreg:$0x0]  }
0x2: {  	s0 =	srdreg.scid;
	s2 =	rddreg [dreg:$0x1]  }
0x3: {  	s10 =	stileid.u32;
	s4 =	rddreg [dreg:$0x2]  }
0x4: {  	s15 =	simm.s32 $0x1C00;
	s28 =	simm.s32 $0x3C00;
	s29 =	simm.s32 $0x4400  }
0x5: {  	s30 =	simm.s32 $0x4C00;
	s18 =	simm.s32 $0x5400;
	s11 =	simm.s32 $0x8400  }
0x6: {  	s13 =	simm.s32 $0x8C00;
	s14 =	simm.s32 $0x9400;
	s16 =	simm.s32 $0x9C00  }
0x7: {  	s17 =	simm.s32 $0xA400;
	s12 =	simm.s32 $0xB400;
	s31 =	simm.s32 $0xBC00  }
0x8: {  	s19 =	simm.s32 $0x1;
	s20 =	simm.s32 $0x2;
	s21 =	simm.s32 $0x3  }
0x9: {  	s22 =	simm.s32 $0x4;
	s0 =	sand.u32 $0x1, s0;
	s3 =	sshll.u32 s10, $0x1  }
0xa: {  	s24 =	smul.u32 $0x1C0000, s10;
	s10 =	simm.s32 $0x7C00;
	s5 =	sor.u32 s0, s3  }
0xb: {  	s3 =	simm.s32 $0x0;
	s7 =	ssub.s32 $0x2, s0;
	s0 =	smul.u32 $0xE0000, s0  }
0xc: {  	s6 =	smul.u32 $0x1C00, s5;
	[smem:$0x7FF] =	sst s3;
	s8 =	sshrl.u32 s7, $0x1  }
0xd: {  	s9 =	smul.u32 $0x700000, s5;
	s5 =	sadd.s32 $0x100, s1;
	_ =	strace $0x80000047  }
0xe: {  	s8 =	ssub.s32 s7, s8;
	s7 =	sadd.s32 $0x300, s1;
	s6 =	sshrl.u32 s6, $0x3  }
0xf: {  	s23 =	sshrl.u32 s9, $0x3;
	s26 =	smax.u32 s8, $0x1;
	s8 =	simm.s32 $0x6C00  }
0x10: {  	s9 =	simm.s32 $0x7400;
	s2 =	sadd.s32 s2, s6;
	[dreg:$0x8] =	wrdreg s26  }
0x11: {  	[dreg:$0x5] =	wrdreg s2;
	s2 =	sadd.s32 s4, s23;
	s23 =	simm.s32 $0x0  }
0x12: {  	s6 =	sadd.s32 $0x200, s1;
	s25 =	sadd.s32 $0xDC800, s2;
	[dreg:$0x9] =	wrdreg s23  }
0x13: {  	s4 =	sadd.s32 s24, s4;
	s2 =	sadd.s32 $0xDE400, s2;
	[dreg:$0x6] =	wrdreg s25  }
0x14: {  	v2 =	vlaneseq.u32;
	s26 =	simm.s32 $0x3400;
	s0 =	sadd.s32 s0, s4;
	[dreg:$0x7] =	wrdreg s2  }
0x15: {  	vm0 =	vmmov $0xffff;
	v1 =	vshrl.u32 v2, $0x3;
	s24 =	simm.s32 $0x2C00;
	s4 =	simm.s32 $0x6400;
	[dreg:$0x4] =	wrdreg s0  }
0x16: {  	v0 =	vand.u32 $0x7, v2;
	v2 =	vor.u32 $0x8, v2;
	v1 =	vmul.u32 $0x8, v1;
	s25 =	simm.s32 $0x2400;
	s0 =	simm.s32 $0x5C00;
	s2 =	simm.s32 $0xFC00  }
.LBB2_1:
0x17: {  	s23 =	rddreg [dreg:$0x5]  }
0x18: {  	[tilespmem:s3], [sflag:$0x5] =	stream.linear.gather [hbm4b:s23+s3], $0x1C00, $0x38;
	[tilespmem:$0x1DC00] =	vst v63  }
0x19: {  	s23 =	simm.s32 $0x5  }
0x1a: {  	_ =	swait.ge [sflag:s23], $0x1C00  }
0x1b: {  	[sflag:s23] =	ssyncset.done $0x0  }
0x1c: {  	[sflag:s23] =	ssyncadd.s32 $0xFFFFE400  }
0x1d: {  	v3 =	vld [tilespmem:$0x0];
	_ =	sdelay $0x4  }
0x1e: {  	v4 =	vshll.u32 v3, $0x3  }
0x1f: {  	v3 =	vand.u32 $0x7, v3;
	v4 =	vand.u32 $0xFFFFFFC0, v4  }
0x20: {  	v3 =	vor.u32 v3, v4  }
0x21: {  	v4 =	vperm.xlane v3, v0;
	_ =	sdelay $0x1  }
0x22: {  	v4 =	vadd.s32 v1, v4;
	_ =	sdelay $0x4  }
0x23: {  	[tilespmem:s15], [sflag:$0x1] =	stream.indirect_vreg.gather [hbm4b:s1+s3], $0x80, v4, vm0, $0xb8;
	[tilespmem:$0x1DC00] =	vst v63  }
0x24: {  	v3 =	vperm.xlane v3, v2  }
0x25: {  	[tilespmem:s25], [sflag:$0x1] =	stream.indirect_vreg.gather [hbm4b:s5+s3], $0x80, v4, vm0, $0xb8;
	[tilespmem:$0x1DC00] =	vst v63  }
0x26: {  	v3 =	vadd.s32 v1, v3  }
0x27: {  	[tilespmem:s24], [sflag:$0x1] =	stream.indirect_vreg.gather [hbm4b:s6+s3], $0x80, v4, vm0, $0xb8;
	[tilespmem:$0x1DC00] =	vst v63  }
0x28: {  	_ = 	snop  }
0x29: {  	[tilespmem:s26], [sflag:$0x1] =	stream.indirect_vreg.gather [hbm4b:s7+s3], $0x80, v4, vm0, $0xb8;
	[tilespmem:$0x1DC00] =	vst v63  }
0x2a: {  	_ = 	snop  }
0x2b: {  	[tilespmem:s28], [sflag:$0x1] =	stream.indirect_vreg.gather [hbm4b:s1+s3], $0x80, v3, vm0, $0xb8;
	[tilespmem:$0x1DC00] =	vst v63  }
0x2c: {  	_ = 	snop  }
0x2d: {  	[tilespmem:s29], [sflag:$0x1] =	stream.indirect_vreg.gather [hbm4b:s5+s3], $0x80, v3, vm0, $0xb8;
	[tilespmem:$0x1DC00] =	vst v63  }
0x2e: {  	_ = 	snop  }
0x2f: {  	[tilespmem:s30], [sflag:$0x1] =	stream.indirect_vreg.gather [hbm4b:s6+s3], $0x80, v3, vm0, $0xb8;
	[tilespmem:$0x1DC00] =	vst v63  }
0x30: {  	_ = 	snop  }
0x31: {  	[tilespmem:s18], [sflag:$0x1] =	stream.indirect_vreg.gather [hbm4b:s7+s3], $0x80, v3, vm0, $0xb8;
	[tilespmem:$0x1DC00] =	vst v63  }
0x32: {  	v3 =	vld [tilespmem:$0x10];
	_ =	sdelay $0x4  }
0x33: {  	v57 =	vshll.u32 v3, $0x3  }
0x34: {  	v3 =	vand.u32 $0x7, v3;
	v4 =	vand.u32 $0xFFFFFFC0, v57  }
0x35: {  	v3 =	vor.u32 v3, v4  }
0x36: {  	v4 =	vperm.xlane v3, v0;
	_ =	sdelay $0x1  }
0x37: {  	v4 =	vadd.s32 v1, v4;
	_ =	sdelay $0x4  }
0x38: {  	[tilespmem:s0], [sflag:$0x1] =	stream.indirect_vreg.gather [hbm4b:s1+s3], $0x80, v4, vm0, $0xb8;
	[tilespmem:$0x1DC00] =	vst v63  }
0x39: {  	v3 =	vperm.xlane v3, v2  }
0x3a: {  	[tilespmem:s4], [sflag:$0x1] =	stream.indirect_vreg.gather [hbm4b:s5+s3], $0x80, v4, vm0, $0xb8;
	[tilespmem:$0x1DC00] =	vst v63  }
0x3b: {  	v3 =	vadd.s32 v1, v3  }
0x3c: {  	[tilespmem:s8], [sflag:$0x1] =	stream.indirect_vreg.gather [hbm4b:s6+s3], $0x80, v4, vm0, $0xb8;
	[tilespmem:$0x1DC00] =	vst v63  }
0x3d: {  	_ = 	snop  }
0x3e: {  	[tilespmem:s9], [sflag:$0x1] =	stream.indirect_vreg.gather [hbm4b:s7+s3], $0x80, v4, vm0, $0xb8;
	[tilespmem:$0x1DC00] =	vst v63  }
0x3f: {  	_ = 	snop  }
0x40: {  	[tilespmem:s10], [sflag:$0x1] =	stream.indirect_vreg.gather [hbm4b:s1+s3], $0x80, v3, vm0, $0xb8;
	[tilespmem:$0x1DC00] =	vst v63  }
0x41: {  	_ = 	snop  }
0x42: {  	[tilespmem:s11], [sflag:$0x1] =	stream.indirect_vreg.gather [hbm4b:s5+s3], $0x80, v3, vm0, $0xb8;
	[tilespmem:$0x1DC00] =	vst v63  }
0x43: {  	_ = 	snop  }
0x44: {  	[tilespmem:s13], [sflag:$0x1] =	stream.indirect_vreg.gather [hbm4b:s6+s3], $0x80, v3, vm0, $0xb8;
	[tilespmem:$0x1DC00] =	vst v63  }
0x45: {  	_ = 	snop  }
0x46: {  	[tilespmem:s14], [sflag:$0x1] =	stream.indirect_vreg.gather [hbm4b:s7+s3], $0x80, v3, vm0, $0xb8;
	[tilespmem:$0x1DC00] =	vst v63  }
0x47: {  	v3 =	vld [tilespmem:$0x20];
	_ =	sdelay $0x4  }
0x48: {  	v58 =	vshll.u32 v3, $0x3  }
0x49: {  	v3 =	vand.u32 $0x7, v3;
	v4 =	vand.u32 $0xFFFFFFC0, v58  }
0x4a: {  	v3 =	vor.u32 v3, v4  }
0x4b: {  	v4 =	vperm.xlane v3, v0;
	_ =	sdelay $0x1  }
0x4c: {  	v4 =	vadd.s32 v1, v4;
	_ =	sdelay $0x4  }
0x4d: {  	[tilespmem:s16], [sflag:$0x1] =	stream.indirect_vreg.gather [hbm4b:s1+s3], $0x80, v4, vm0, $0xb8;
	[tilespmem:$0x1DC00] =	vst v63  }
0x4e: {  	v3 =	vperm.xlane v3, v2  }
0x4f: {  	[tilespmem:s17], [sflag:$0x1] =	stream.indirect_vreg.gather [hbm4b:s5+s3], $0x80, v4, vm0, $0xb8;
	[tilespmem:$0x1DC00] =	vst v63  }
0x50: {  	s10 =	simm.s32 $0xAC00;
	v3 =	vadd.s32 v1, v3  }
0x51: {  	[tilespmem:s10], [sflag:$0x1] =	stream.indirect_vreg.gather [hbm4b:s6+s3], $0x80, v4, vm0, $0xb8;
	[tilespmem:$0x1DC00] =	vst v63  }
0x52: {  	_ = 	snop  }
0x53: {  	[tilespmem:s12], [sflag:$0x1] =	stream.indirect_vreg.gather [hbm4b:s7+s3], $0x80, v4, vm0, $0xb8;
	[tilespmem:$0x1DC00] =	vst v63  }
0x54: {  	_ = 	snop  }
0x55: {  	[tilespmem:s31], [sflag:$0x1] =	stream.indirect_vreg.gather [hbm4b:s1+s3], $0x80, v3, vm0, $0xb8;
	[tilespmem:$0x1DC00] =	vst v63  }
0x56: {  	s11 =	simm.s32 $0xC400  }
0x57: {  	[tilespmem:s11], [sflag:$0x1] =	stream.indirect_vreg.gather [hbm4b:s5+s3], $0x80, v3, vm0, $0xb8;
	[tilespmem:$0x1DC00] =	vst v63  }
0x58: {  	s12 =	simm.s32 $0xCC00  }
0x59: {  	[tilespmem:s12], [sflag:$0x1] =	stream.indirect_vreg.gather [hbm4b:s6+s3], $0x80, v3, vm0, $0xb8;
	[tilespmem:$0x1DC00] =	vst v63  }
0x5a: {  	s13 =	simm.s32 $0xD400  }
0x5b: {  	[tilespmem:s13], [sflag:$0x1] =	stream.indirect_vreg.gather [hbm4b:s7+s3], $0x80, v3, vm0, $0xb8;
	[tilespmem:$0x1DC00] =	vst v63  }
0x5c: {  	v3 =	vld.msk [tilespmem:$0x30], $0xff;
	_ =	sdelay $0x4  }
0x5d: {  	v59 =	vshll.u32 v3, $0x3  }
0x5e: {  	v3 =	vand.u32 $0x7, v3;
	v4 =	vand.u32 $0xFFFFFFC0, v59  }
0x5f: {  	v3 =	vor.u32 v3, v4  }
0x60: {  	v3 =	vperm.xlane v3, v0;
	_ =	sdelay $0x1  }
0x61: {  	v3 =	vadd.s32 v1, v3;
	_ =	sdelay $0x3  }
0x62: {  	s14 =	simm.s32 $0xDC00  }
0x63: {  	[tilespmem:s14], [sflag:$0x1] =	stream.indirect_vreg.gather [hbm4b:s1+s3], $0x80, v3, vm0, $0xb8;
	[tilespmem:$0x1DC00] =	vst v63  }
0x64: {  	s15 =	simm.s32 $0xE400  }
0x65: {  	[tilespmem:s15], [sflag:$0x1] =	stream.indirect_vreg.gather [hbm4b:s5+s3], $0x80, v3, vm0, $0xb8;
	[tilespmem:$0x1DC00] =	vst v63  }
0x66: {  	s16 =	simm.s32 $0xEC00  }
0x67: {  	[tilespmem:s16], [sflag:$0x1] =	stream.indirect_vreg.gather [hbm4b:s6+s3], $0x80, v3, vm0, $0xb8;
	[tilespmem:$0x1DC00] =	vst v63  }
0x68: {  	s17 =	simm.s32 $0xF400  }
0x69: {  	[tilespmem:s17], [sflag:$0x1] =	stream.indirect_vreg.gather [hbm4b:s7+s3], $0x80, v3, vm0, $0xb8;
	[tilespmem:$0x1DC00] =	vst v63  }
0x6a: {  	v3 =	vld [tilespmem:$0x38];
	_ =	sdelay $0x4  }
0x6b: {  	v60 =	vshll.u32 v3, $0x3  }
0x6c: {  	v3 =	vand.u32 $0x7, v3;
	v4 =	vand.u32 $0xFFFFFFC0, v60  }
0x6d: {  	v3 =	vor.u32 v3, v4  }
0x6e: {  	v4 =	vperm.xlane v3, v0;
	_ =	sdelay $0x1  }
0x6f: {  	v4 =	vadd.s32 v1, v4;
	_ =	sdelay $0x4  }
0x70: {  	[tilespmem:s2], [sflag:$0x2] =	stream.indirect_vreg.gather [hbm4b:s1+s3], $0x80, v4, vm0, $0xb8;
	[tilespmem:$0x1DC00] =	vst v63  }
0x71: {  	s18 =	simm.s32 $0x10400;
	v3 =	vperm.xlane v3, v2  }
0x72: {  	[tilespmem:s18], [sflag:$0x2] =	stream.indirect_vreg.gather [hbm4b:s5+s3], $0x80, v4, vm0, $0xb8;
	[tilespmem:$0x1DC00] =	vst v63  }
0x73: {  	s23 =	simm.s32 $0x10C00;
	v3 =	vadd.s32 v1, v3  }
0x74: {  	[tilespmem:s23], [sflag:$0x2] =	stream.indirect_vreg.gather [hbm4b:s6+s3], $0x80, v4, vm0, $0xb8;
	[tilespmem:$0x1DC00] =	vst v63  }
0x75: {  	s24 =	simm.s32 $0x11400  }
0x76: {  	[tilespmem:s24], [sflag:$0x2] =	stream.indirect_vreg.gather [hbm4b:s7+s3], $0x80, v4, vm0, $0xb8;
	[tilespmem:$0x1DC00] =	vst v63  }
0x77: {  	s25 =	simm.s32 $0x11C00  }
0x78: {  	[tilespmem:s25], [sflag:$0x2] =	stream.indirect_vreg.gather [hbm4b:s1+s3], $0x80, v3, vm0, $0xb8;
	[tilespmem:$0x1DC00] =	vst v63  }
0x79: {  	s26 =	simm.s32 $0x12400  }
0x7a: {  	[tilespmem:s26], [sflag:$0x2] =	stream.indirect_vreg.gather [hbm4b:s5+s3], $0x80, v3, vm0, $0xb8;
	[tilespmem:$0x1DC00] =	vst v63  }
0x7b: {  	s30 =	simm.s32 $0x12C00  }
0x7c: {  	[tilespmem:s30], [sflag:$0x2] =	stream.indirect_vreg.gather [hbm4b:s6+s3], $0x80, v3, vm0, $0xb8;
	[tilespmem:$0x1DC00] =	vst v63  }
0x7d: {  	s2 =	simm.s32 $0x13400  }
0x7e: {  	[tilespmem:s2], [sflag:$0x2] =	stream.indirect_vreg.gather [hbm4b:s7+s3], $0x80, v3, vm0, $0xb8;
	[tilespmem:$0x1DC00] =	vst v63  }
0x7f: {  	v3 =	vld [tilespmem:$0x48];
	_ =	sdelay $0x4  }
0x80: {  	v61 =	vshll.u32 v3, $0x3  }
0x81: {  	v3 =	vand.u32 $0x7, v3;
	v4 =	vand.u32 $0xFFFFFFC0, v61  }
0x82: {  	v3 =	vor.u32 v3, v4  }
0x83: {  	v4 =	vperm.xlane v3, v0;
	_ =	sdelay $0x1  }
0x84: {  	v4 =	vadd.s32 v1, v4;
	_ =	sdelay $0x3  }
0x85: {  	s4 =	simm.s32 $0x13C00  }
0x86: {  	[tilespmem:s4], [sflag:$0x2] =	stream.indirect_vreg.gather [hbm4b:s1+s3], $0x80, v4, vm0, $0xb8;
	[tilespmem:$0x1DC00] =	vst v63  }
0x87: {  	s8 =	simm.s32 $0x14400;
	v3 =	vperm.xlane v3, v2  }
0x88: {  	[tilespmem:s8], [sflag:$0x2] =	stream.indirect_vreg.gather [hbm4b:s5+s3], $0x80, v4, vm0, $0xb8;
	[tilespmem:$0x1DC00] =	vst v63  }
0x89: {  	s9 =	simm.s32 $0x14C00;
	v3 =	vadd.s32 v1, v3  }
0x8a: {  	[tilespmem:s9], [sflag:$0x2] =	stream.indirect_vreg.gather [hbm4b:s6+s3], $0x80, v4, vm0, $0xb8;
	[tilespmem:$0x1DC00] =	vst v63  }
0x8b: {  	s10 =	simm.s32 $0x15400  }
0x8c: {  	[tilespmem:s10], [sflag:$0x2] =	stream.indirect_vreg.gather [hbm4b:s7+s3], $0x80, v4, vm0, $0xb8;
	[tilespmem:$0x1DC00] =	vst v63  }
0x8d: {  	s11 =	simm.s32 $0x15C00  }
0x8e: {  	[tilespmem:s11], [sflag:$0x2] =	stream.indirect_vreg.gather [hbm4b:s1+s3], $0x80, v3, vm0, $0xb8;
	[tilespmem:$0x1DC00] =	vst v63  }
0x8f: {  	s12 =	simm.s32 $0x16400  }
0x90: {  	[tilespmem:s12], [sflag:$0x2] =	stream.indirect_vreg.gather [hbm4b:s5+s3], $0x80, v3, vm0, $0xb8;
	[tilespmem:$0x1DC00] =	vst v63  }
0x91: {  	s13 =	simm.s32 $0x16C00  }
0x92: {  	[tilespmem:s13], [sflag:$0x2] =	stream.indirect_vreg.gather [hbm4b:s6+s3], $0x80, v3, vm0, $0xb8;
	[tilespmem:$0x1DC00] =	vst v63  }
0x93: {  	s14 =	simm.s32 $0x17400  }
0x94: {  	[tilespmem:s14], [sflag:$0x2] =	stream.indirect_vreg.gather [hbm4b:s7+s3], $0x80, v3, vm0, $0xb8;
	[tilespmem:$0x1DC00] =	vst v63  }
0x95: {  	v3 =	vld [tilespmem:$0x58];
	_ =	sdelay $0x4  }
0x96: {  	v62 =	vshll.u32 v3, $0x3  }
0x97: {  	v3 =	vand.u32 $0x7, v3;
	v4 =	vand.u32 $0xFFFFFFC0, v62  }
0x98: {  	v3 =	vor.u32 v3, v4  }
0x99: {  	v4 =	vperm.xlane v3, v0;
	_ =	sdelay $0x1  }
0x9a: {  	v4 =	vadd.s32 v1, v4;
	_ =	sdelay $0x3  }
0x9b: {  	s15 =	simm.s32 $0x17C00  }
0x9c: {  	[tilespmem:s15], [sflag:$0x2] =	stream.indirect_vreg.gather [hbm4b:s1+s3], $0x80, v4, vm0, $0xb8;
	[tilespmem:$0x1DC00] =	vst v63  }
0x9d: {  	s16 =	simm.s32 $0x18400;
	v3 =	vperm.xlane v3, v2  }
0x9e: {  	[tilespmem:s16], [sflag:$0x2] =	stream.indirect_vreg.gather [hbm4b:s5+s3], $0x80, v4, vm0, $0xb8;
	[tilespmem:$0x1DC00] =	vst v63  }
0x9f: {  	s17 =	simm.s32 $0x18C00;
	v3 =	vadd.s32 v1, v3  }
0xa0: {  	[tilespmem:s17], [sflag:$0x2] =	stream.indirect_vreg.gather [hbm4b:s6+s3], $0x80, v4, vm0, $0xb8;
	[tilespmem:$0x1DC00] =	vst v63  }
0xa1: {  	s18 =	simm.s32 $0x19400  }
0xa2: {  	[tilespmem:s18], [sflag:$0x2] =	stream.indirect_vreg.gather [hbm4b:s7+s3], $0x80, v4, vm0, $0xb8;
	[tilespmem:$0x1DC00] =	vst v63  }
0xa3: {  	s23 =	simm.s32 $0x19C00  }
0xa4: {  	[tilespmem:s23], [sflag:$0x2] =	stream.indirect_vreg.gather [hbm4b:s1+s3], $0x80, v3, vm0, $0xb8;
	[tilespmem:$0x1DC00] =	vst v63  }
0xa5: {  	s24 =	simm.s32 $0x1A400  }
0xa6: {  	[tilespmem:s24], [sflag:$0x2] =	stream.indirect_vreg.gather [hbm4b:s5+s3], $0x80, v3, vm0, $0xb8;
	[tilespmem:$0x1DC00] =	vst v63  }
0xa7: {  	s25 =	simm.s32 $0x1AC00  }
0xa8: {  	[tilespmem:s25], [sflag:$0x2] =	stream.indirect_vreg.gather [hbm4b:s6+s3], $0x80, v3, vm0, $0xb8;
	[tilespmem:$0x1DC00] =	vst v63  }
0xa9: {  	s26 =	simm.s32 $0x1B400  }
0xaa: {  	[tilespmem:s26], [sflag:$0x2] =	stream.indirect_vreg.gather [hbm4b:s7+s3], $0x80, v3, vm0, $0xb8;
	[tilespmem:$0x1DC00] =	vst v63  }
0xab: {  	v3 =	vld.msk [tilespmem:$0x68], $0xff;
	_ =	sdelay $0x4  }
0xac: {  	v63 =	vshll.u32 v3, $0x3  }
0xad: {  	v3 =	vand.u32 $0x7, v3;
	v4 =	vand.u32 $0xFFFFFFC0, v63  }
0xae: {  	v3 =	vor.u32 v3, v4  }
0xaf: {  	v3 =	vperm.xlane v3, v0;
	_ =	sdelay $0x1  }
0xb0: {  	v3 =	vadd.s32 v1, v3  }
0xb1: {  	s28 =	simm.s32 $0xBC00  }
0xb2: {  	s29 =	simm.s32 $0x1C400;
	s0 =	simm.s32 $0x5C00;
	s31 =	simm.s32 $0x1CC00  }
0xb3: {  	s30 =	simm.s32 $0x1BC00;
	s4 =	simm.s32 $0x6400;
	s8 =	simm.s32 $0x6C00  }
0xb4: {  	s9 =	simm.s32 $0x7400;
	s10 =	simm.s32 $0x7C00;
	s11 =	simm.s32 $0x8400  }
0xb5: {  	[tilespmem:s30], [sflag:$0x2] =	stream.indirect_vreg.gather [hbm4b:s1+s3], $0x80, v3, vm0, $0xb8;
	[tilespmem:$0x1DC00] =	vst v63  }
0xb6: {  	s12 =	simm.s32 $0xB400;
	s13 =	simm.s32 $0x8C00;
	s14 =	simm.s32 $0x9400  }
0xb7: {  	[tilespmem:s29], [sflag:$0x2] =	stream.indirect_vreg.gather [hbm4b:s5+s3], $0x80, v3, vm0, $0xb8;
	[tilespmem:$0x1DC00] =	vst v63  }
0xb8: {  	s16 =	simm.s32 $0x9C00;
	s17 =	simm.s32 $0xA400;
	s18 =	simm.s32 $0xAC00  }
0xb9: {  	[tilespmem:s31], [sflag:$0x2] =	stream.indirect_vreg.gather [hbm4b:s6+s3], $0x80, v3, vm0, $0xb8;
	[tilespmem:$0x1DC00] =	vst v63  }
0xba: {  	s23 =	simm.s32 $0xD8;
	s24 =	simm.s32 $0x0;
	s26 =	simm.s32 $0x1D400  }
0xbb: {  	[tilespmem:s26], [sflag:$0x2] =	stream.indirect_vreg.gather [hbm4b:s7+s3], $0x80, v3, vm0, $0xb8;
	[tilespmem:$0x1DC00] =	vst v63  }
.LBB2_2:
0xbc: {  	_ =	swait.ge [sflag:s19], $0xE000  }
0xbd: {  	s25 =	rddreg [dreg:$0x4];
	[sflag:s19] =	ssyncset.done $0x0  }
0xbe: {  	s2 =	simm.s32 $0x1C00;
	[sflag:s19] =	ssyncadd.s32 $0xFFFF2000;
	s25 =	sadd.s32 s24, s25  }
0xbf: {  	[hbm4b:s25+s3] =	stream.linear.scatter [tilespmem:s2], [sflag:$0x3], $0xE000, $0x38;
	[tilespmem:$0x1DC00] =	vst v63  }
0xc0: {  	_ =	swait.ge [sflag:s20], $0xE000  }
0xc1: {  	[sflag:s20] =	ssyncset.done $0x0  }
0xc2: {  	s30 =	simm.s32 $0xFC00;
	s25 =	sadd.s32 $0x1C00, s25;
	[sflag:s20] =	ssyncadd.s32 $0xFFFF2000  }
0xc3: {  	[hbm4b:s25+s3] =	stream.linear.scatter [tilespmem:s30], [sflag:$0x4], $0xE000, $0x38;
	[tilespmem:$0x1DC00] =	vst v63  }
0xc4: {  	_ =	swait.ge [sflag:s21], $0xE000  }
0xc5: {  	[sflag:s21] =	ssyncset.done $0x0  }
0xc6: {  	[sflag:s21] =	ssyncadd.s32 $0xFFFF2000  }
0xc7: {  	v3 =	vld [tilespmem:s23+$0xFFFFFF98];
	_ =	sdelay $0x4  }
0xc8: {  	v4 =	vshll.u32 v3, $0x3  }
0xc9: {  	v3 =	vand.u32 $0x7, v3;
	v4 =	vand.u32 $0xFFFFFFC0, v4  }
0xca: {  	v3 =	vor.u32 v3, v4  }
0xcb: {  	v4 =	vperm.xlane v3, v0;
	_ =	sdelay $0x1  }
0xcc: {  	v4 =	vadd.s32 v1, v4;
	_ =	sdelay $0x4  }
0xcd: {  	[tilespmem:s2], [sflag:$0x1] =	stream.indirect_vreg.gather [hbm4b:s1+s3], $0x80, v4, vm0, $0xb8;
	[tilespmem:$0x1DC00] =	vst v63  }
0xce: {  	s25 =	simm.s32 $0x2400;
	v3 =	vperm.xlane v3, v2  }
0xcf: {  	[tilespmem:s25], [sflag:$0x1] =	stream.indirect_vreg.gather [hbm4b:s5+s3], $0x80, v4, vm0, $0xb8;
	[tilespmem:$0x1DC00] =	vst v63  }
0xd0: {  	v3 =	vadd.s32 v1, v3;
	s2 =	simm.s32 $0x2C00  }
0xd1: {  	[tilespmem:s2], [sflag:$0x1] =	stream.indirect_vreg.gather [hbm4b:s6+s3], $0x80, v4, vm0, $0xb8;
	[tilespmem:$0x1DC00] =	vst v63  }
0xd2: {  	s2 =	simm.s32 $0x3400  }
0xd3: {  	[tilespmem:s2], [sflag:$0x1] =	stream.indirect_vreg.gather [hbm4b:s7+s3], $0x80, v4, vm0, $0xb8;
	[tilespmem:$0x1DC00] =	vst v63  }
0xd4: {  	s2 =	simm.s32 $0x3C00  }
0xd5: {  	[tilespmem:s2], [sflag:$0x1] =	stream.indirect_vreg.gather [hbm4b:s1+s3], $0x80, v3, vm0, $0xb8;
	[tilespmem:$0x1DC00] =	vst v63  }
0xd6: {  	s2 =	simm.s32 $0x4400  }
0xd7: {  	[tilespmem:s2], [sflag:$0x1] =	stream.indirect_vreg.gather [hbm4b:s5+s3], $0x80, v3, vm0, $0xb8;
	[tilespmem:$0x1DC00] =	vst v63  }
0xd8: {  	s2 =	simm.s32 $0x4C00  }
0xd9: {  	[tilespmem:s2], [sflag:$0x1] =	stream.indirect_vreg.gather [hbm4b:s6+s3], $0x80, v3, vm0, $0xb8;
	[tilespmem:$0x1DC00] =	vst v63  }
0xda: {  	s2 =	simm.s32 $0x5400  }
0xdb: {  	[tilespmem:s2], [sflag:$0x1] =	stream.indirect_vreg.gather [hbm4b:s7+s3], $0x80, v3, vm0, $0xb8;
	[tilespmem:$0x1DC00] =	vst v63  }
0xdc: {  	v3 =	vld [tilespmem:s23+$0xFFFFFFA8];
	_ =	sdelay $0x4  }
0xdd: {  	v57 =	vshll.u32 v3, $0x3  }
0xde: {  	v3 =	vand.u32 $0x7, v3;
	v4 =	vand.u32 $0xFFFFFFC0, v57  }
0xdf: {  	v3 =	vor.u32 v3, v4  }
0xe0: {  	v4 =	vperm.xlane v3, v0;
	_ =	sdelay $0x1  }
0xe1: {  	v4 =	vadd.s32 v1, v4;
	_ =	sdelay $0x4  }
0xe2: {  	[tilespmem:s0], [sflag:$0x1] =	stream.indirect_vreg.gather [hbm4b:s1+s3], $0x80, v4, vm0, $0xb8;
	[tilespmem:$0x1DC00] =	vst v63  }
0xe3: {  	v3 =	vperm.xlane v3, v2  }
0xe4: {  	[tilespmem:s4], [sflag:$0x1] =	stream.indirect_vreg.gather [hbm4b:s5+s3], $0x80, v4, vm0, $0xb8;
	[tilespmem:$0x1DC00] =	vst v63  }
0xe5: {  	v3 =	vadd.s32 v1, v3  }
0xe6: {  	[tilespmem:s8], [sflag:$0x1] =	stream.indirect_vreg.gather [hbm4b:s6+s3], $0x80, v4, vm0, $0xb8;
	[tilespmem:$0x1DC00] =	vst v63  }
0xe7: {  	_ = 	snop  }
0xe8: {  	[tilespmem:s9], [sflag:$0x1] =	stream.indirect_vreg.gather [hbm4b:s7+s3], $0x80, v4, vm0, $0xb8;
	[tilespmem:$0x1DC00] =	vst v63  }
0xe9: {  	_ = 	snop  }
0xea: {  	[tilespmem:s10], [sflag:$0x1] =	stream.indirect_vreg.gather [hbm4b:s1+s3], $0x80, v3, vm0, $0xb8;
	[tilespmem:$0x1DC00] =	vst v63  }
0xeb: {  	_ = 	snop  }
0xec: {  	[tilespmem:s11], [sflag:$0x1] =	stream.indirect_vreg.gather [hbm4b:s5+s3], $0x80, v3, vm0, $0xb8;
	[tilespmem:$0x1DC00] =	vst v63  }
0xed: {  	_ = 	snop  }
0xee: {  	[tilespmem:s13], [sflag:$0x1] =	stream.indirect_vreg.gather [hbm4b:s6+s3], $0x80, v3, vm0, $0xb8;
	[tilespmem:$0x1DC00] =	vst v63  }
0xef: {  	_ = 	snop  }
0xf0: {  	[tilespmem:s14], [sflag:$0x1] =	stream.indirect_vreg.gather [hbm4b:s7+s3], $0x80, v3, vm0, $0xb8;
	[tilespmem:$0x1DC00] =	vst v63  }
0xf1: {  	v3 =	vld [tilespmem:s23+$0xFFFFFFB8];
	_ =	sdelay $0x4  }
0xf2: {  	v58 =	vshll.u32 v3, $0x3  }
0xf3: {  	v3 =	vand.u32 $0x7, v3;
	v4 =	vand.u32 $0xFFFFFFC0, v58  }
0xf4: {  	v3 =	vor.u32 v3, v4  }
0xf5: {  	v4 =	vperm.xlane v3, v0;
	_ =	sdelay $0x1  }
0xf6: {  	v4 =	vadd.s32 v1, v4;
	_ =	sdelay $0x4  }
0xf7: {  	[tilespmem:s16], [sflag:$0x1] =	stream.indirect_vreg.gather [hbm4b:s1+s3], $0x80, v4, vm0, $0xb8;
	[tilespmem:$0x1DC00] =	vst v63  }
0xf8: {  	v3 =	vperm.xlane v3, v2  }
0xf9: {  	[tilespmem:s17], [sflag:$0x1] =	stream.indirect_vreg.gather [hbm4b:s5+s3], $0x80, v4, vm0, $0xb8;
	[tilespmem:$0x1DC00] =	vst v63  }
0xfa: {  	v3 =	vadd.s32 v1, v3  }
0xfb: {  	[tilespmem:s18], [sflag:$0x1] =	stream.indirect_vreg.gather [hbm4b:s6+s3], $0x80, v4, vm0, $0xb8;
	[tilespmem:$0x1DC00] =	vst v63  }
0xfc: {  	_ = 	snop  }
0xfd: {  	[tilespmem:s12], [sflag:$0x1] =	stream.indirect_vreg.gather [hbm4b:s7+s3], $0x80, v4, vm0, $0xb8;
	[tilespmem:$0x1DC00] =	vst v63  }
0xfe: {  	_ = 	snop  }
0xff: {  	[tilespmem:s28], [sflag:$0x1] =	stream.indirect_vreg.gather [hbm4b:s1+s3], $0x80, v3, vm0, $0xb8;
	[tilespmem:$0x1DC00] =	vst v63  }
0x100: {  	s2 =	simm.s32 $0xC400  }
0x101: {  	[tilespmem:s2], [sflag:$0x1] =	stream.indirect_vreg.gather [hbm4b:s5+s3], $0x80, v3, vm0, $0xb8;
	[tilespmem:$0x1DC00] =	vst v63  }
0x102: {  	s2 =	simm.s32 $0xCC00  }
0x103: {  	[tilespmem:s2], [sflag:$0x1] =	stream.indirect_vreg.gather [hbm4b:s6+s3], $0x80, v3, vm0, $0xb8;
	[tilespmem:$0x1DC00] =	vst v63  }
0x104: {  	s2 =	simm.s32 $0xD400  }
0x105: {  	[tilespmem:s2], [sflag:$0x1] =	stream.indirect_vreg.gather [hbm4b:s7+s3], $0x80, v3, vm0, $0xb8;
	[tilespmem:$0x1DC00] =	vst v63  }
0x106: {  	v3 =	vld.msk [tilespmem:s23+$0xFFFFFFC8], $0xff;
	_ =	sdelay $0x4  }
0x107: {  	v59 =	vshll.u32 v3, $0x3  }
0x108: {  	v3 =	vand.u32 $0x7, v3;
	v4 =	vand.u32 $0xFFFFFFC0, v59  }
0x109: {  	v3 =	vor.u32 v3, v4  }
0x10a: {  	v3 =	vperm.xlane v3, v0;
	_ =	sdelay $0x1  }
0x10b: {  	v3 =	vadd.s32 v1, v3;
	_ =	sdelay $0x3  }
0x10c: {  	s2 =	simm.s32 $0xDC00  }
0x10d: {  	[tilespmem:s2], [sflag:$0x1] =	stream.indirect_vreg.gather [hbm4b:s1+s3], $0x80, v3, vm0, $0xb8;
	[tilespmem:$0x1DC00] =	vst v63  }
0x10e: {  	s2 =	simm.s32 $0xE400  }
0x10f: {  	[tilespmem:s2], [sflag:$0x1] =	stream.indirect_vreg.gather [hbm4b:s5+s3], $0x80, v3, vm0, $0xb8;
	[tilespmem:$0x1DC00] =	vst v63  }
0x110: {  	s2 =	simm.s32 $0xEC00  }
0x111: {  	[tilespmem:s2], [sflag:$0x1] =	stream.indirect_vreg.gather [hbm4b:s6+s3], $0x80, v3, vm0, $0xb8;
	[tilespmem:$0x1DC00] =	vst v63  }
0x112: {  	s2 =	simm.s32 $0xF400  }
0x113: {  	[tilespmem:s2], [sflag:$0x1] =	stream.indirect_vreg.gather [hbm4b:s7+s3], $0x80, v3, vm0, $0xb8;
	[tilespmem:$0x1DC00] =	vst v63  }
0x114: {  	_ =	swait.ge [sflag:s22], $0xE000  }
0x115: {  	[sflag:s22] =	ssyncset.done $0x0  }
0x116: {  	[sflag:s22] =	ssyncadd.s32 $0xFFFF2000  }
0x117: {  	v3 =	vld [tilespmem:s23+$0xFFFFFFD0];
	_ =	sdelay $0x4  }
0x118: {  	v60 =	vshll.u32 v3, $0x3  }
0x119: {  	v3 =	vand.u32 $0x7, v3;
	v4 =	vand.u32 $0xFFFFFFC0, v60  }
0x11a: {  	v3 =	vor.u32 v3, v4  }
0x11b: {  	v4 =	vperm.xlane v3, v0;
	_ =	sdelay $0x1  }
0x11c: {  	v4 =	vadd.s32 v1, v4;
	_ =	sdelay $0x4  }
0x11d: {  	[tilespmem:s30], [sflag:$0x2] =	stream.indirect_vreg.gather [hbm4b:s1+s3], $0x80, v4, vm0, $0xb8;
	[tilespmem:$0x1DC00] =	vst v63  }
0x11e: {  	v3 =	vperm.xlane v3, v2;
	s30 =	simm.s32 $0x10400  }
0x11f: {  	[tilespmem:s30], [sflag:$0x2] =	stream.indirect_vreg.gather [hbm4b:s5+s3], $0x80, v4, vm0, $0xb8;
	[tilespmem:$0x1DC00] =	vst v63  }
0x120: {  	v3 =	vadd.s32 v1, v3;
	s30 =	simm.s32 $0x10C00  }
0x121: {  	[tilespmem:s30], [sflag:$0x2] =	stream.indirect_vreg.gather [hbm4b:s6+s3], $0x80, v4, vm0, $0xb8;
	[tilespmem:$0x1DC00] =	vst v63  }
0x122: {  	s30 =	simm.s32 $0x11400  }
0x123: {  	[tilespmem:s30], [sflag:$0x2] =	stream.indirect_vreg.gather [hbm4b:s7+s3], $0x80, v4, vm0, $0xb8;
	[tilespmem:$0x1DC00] =	vst v63  }
0x124: {  	s30 =	simm.s32 $0x11C00  }
0x125: {  	[tilespmem:s30], [sflag:$0x2] =	stream.indirect_vreg.gather [hbm4b:s1+s3], $0x80, v3, vm0, $0xb8;
	[tilespmem:$0x1DC00] =	vst v63  }
0x126: {  	s30 =	simm.s32 $0x12400  }
0x127: {  	[tilespmem:s30], [sflag:$0x2] =	stream.indirect_vreg.gather [hbm4b:s5+s3], $0x80, v3, vm0, $0xb8;
	[tilespmem:$0x1DC00] =	vst v63  }
0x128: {  	s30 =	simm.s32 $0x12C00  }
0x129: {  	[tilespmem:s30], [sflag:$0x2] =	stream.indirect_vreg.gather [hbm4b:s6+s3], $0x80, v3, vm0, $0xb8;
	[tilespmem:$0x1DC00] =	vst v63  }
0x12a: {  	s30 =	simm.s32 $0x13400  }
0x12b: {  	[tilespmem:s30], [sflag:$0x2] =	stream.indirect_vreg.gather [hbm4b:s7+s3], $0x80, v3, vm0, $0xb8;
	[tilespmem:$0x1DC00] =	vst v63  }
0x12c: {  	v3 =	vld [tilespmem:s23+$0xFFFFFFE0];
	_ =	sdelay $0x4  }
0x12d: {  	v61 =	vshll.u32 v3, $0x3  }
0x12e: {  	v3 =	vand.u32 $0x7, v3;
	v4 =	vand.u32 $0xFFFFFFC0, v61  }
0x12f: {  	v3 =	vor.u32 v3, v4  }
0x130: {  	v4 =	vperm.xlane v3, v0;
	_ =	sdelay $0x1  }
0x131: {  	v4 =	vadd.s32 v1, v4;
	_ =	sdelay $0x3  }
0x132: {  	s30 =	simm.s32 $0x13C00  }
0x133: {  	[tilespmem:s30], [sflag:$0x2] =	stream.indirect_vreg.gather [hbm4b:s1+s3], $0x80, v4, vm0, $0xb8;
	[tilespmem:$0x1DC00] =	vst v63  }
0x134: {  	v3 =	vperm.xlane v3, v2;
	s30 =	simm.s32 $0x14400  }
0x135: {  	[tilespmem:s30], [sflag:$0x2] =	stream.indirect_vreg.gather [hbm4b:s5+s3], $0x80, v4, vm0, $0xb8;
	[tilespmem:$0x1DC00] =	vst v63  }
0x136: {  	v3 =	vadd.s32 v1, v3;
	s30 =	simm.s32 $0x14C00  }
0x137: {  	[tilespmem:s30], [sflag:$0x2] =	stream.indirect_vreg.gather [hbm4b:s6+s3], $0x80, v4, vm0, $0xb8;
	[tilespmem:$0x1DC00] =	vst v63  }
0x138: {  	s30 =	simm.s32 $0x15400  }
0x139: {  	[tilespmem:s30], [sflag:$0x2] =	stream.indirect_vreg.gather [hbm4b:s7+s3], $0x80, v4, vm0, $0xb8;
	[tilespmem:$0x1DC00] =	vst v63  }
0x13a: {  	s30 =	simm.s32 $0x15C00  }
0x13b: {  	[tilespmem:s30], [sflag:$0x2] =	stream.indirect_vreg.gather [hbm4b:s1+s3], $0x80, v3, vm0, $0xb8;
	[tilespmem:$0x1DC00] =	vst v63  }
0x13c: {  	s30 =	simm.s32 $0x16400  }
0x13d: {  	[tilespmem:s30], [sflag:$0x2] =	stream.indirect_vreg.gather [hbm4b:s5+s3], $0x80, v3, vm0, $0xb8;
	[tilespmem:$0x1DC00] =	vst v63  }
0x13e: {  	s30 =	simm.s32 $0x16C00  }
0x13f: {  	[tilespmem:s30], [sflag:$0x2] =	stream.indirect_vreg.gather [hbm4b:s6+s3], $0x80, v3, vm0, $0xb8;
	[tilespmem:$0x1DC00] =	vst v63  }
0x140: {  	s30 =	simm.s32 $0x17400  }
0x141: {  	[tilespmem:s30], [sflag:$0x2] =	stream.indirect_vreg.gather [hbm4b:s7+s3], $0x80, v3, vm0, $0xb8;
	[tilespmem:$0x1DC00] =	vst v63  }
0x142: {  	v3 =	vld [tilespmem:s23+$0xFFFFFFF0];
	_ =	sdelay $0x4  }
0x143: {  	v62 =	vshll.u32 v3, $0x3  }
0x144: {  	v3 =	vand.u32 $0x7, v3;
	v4 =	vand.u32 $0xFFFFFFC0, v62  }
0x145: {  	v3 =	vor.u32 v3, v4  }
0x146: {  	v4 =	vperm.xlane v3, v0;
	_ =	sdelay $0x1  }
0x147: {  	v4 =	vadd.s32 v1, v4;
	_ =	sdelay $0x3  }
0x148: {  	s30 =	simm.s32 $0x17C00  }
0x149: {  	[tilespmem:s30], [sflag:$0x2] =	stream.indirect_vreg.gather [hbm4b:s1+s3], $0x80, v4, vm0, $0xb8;
	[tilespmem:$0x1DC00] =	vst v63  }
0x14a: {  	v3 =	vperm.xlane v3, v2;
	s30 =	simm.s32 $0x18400  }
0x14b: {  	[tilespmem:s30], [sflag:$0x2] =	stream.indirect_vreg.gather [hbm4b:s5+s3], $0x80, v4, vm0, $0xb8;
	[tilespmem:$0x1DC00] =	vst v63  }
0x14c: {  	v3 =	vadd.s32 v1, v3;
	s30 =	simm.s32 $0x18C00  }
0x14d: {  	[tilespmem:s30], [sflag:$0x2] =	stream.indirect_vreg.gather [hbm4b:s6+s3], $0x80, v4, vm0, $0xb8;
	[tilespmem:$0x1DC00] =	vst v63  }
0x14e: {  	s30 =	simm.s32 $0x19400  }
0x14f: {  	[tilespmem:s30], [sflag:$0x2] =	stream.indirect_vreg.gather [hbm4b:s7+s3], $0x80, v4, vm0, $0xb8;
	[tilespmem:$0x1DC00] =	vst v63  }
0x150: {  	s30 =	simm.s32 $0x19C00  }
0x151: {  	[tilespmem:s30], [sflag:$0x2] =	stream.indirect_vreg.gather [hbm4b:s1+s3], $0x80, v3, vm0, $0xb8;
	[tilespmem:$0x1DC00] =	vst v63  }
0x152: {  	s30 =	simm.s32 $0x1A400  }
0x153: {  	[tilespmem:s30], [sflag:$0x2] =	stream.indirect_vreg.gather [hbm4b:s5+s3], $0x80, v3, vm0, $0xb8;
	[tilespmem:$0x1DC00] =	vst v63  }
0x154: {  	s30 =	simm.s32 $0x1AC00  }
0x155: {  	[tilespmem:s30], [sflag:$0x2] =	stream.indirect_vreg.gather [hbm4b:s6+s3], $0x80, v3, vm0, $0xb8;
	[tilespmem:$0x1DC00] =	vst v63  }
0x156: {  	s30 =	simm.s32 $0x1B400  }
0x157: {  	[tilespmem:s30], [sflag:$0x2] =	stream.indirect_vreg.gather [hbm4b:s7+s3], $0x80, v3, vm0, $0xb8;
	[tilespmem:$0x1DC00] =	vst v63  }
0x158: {  	v3 =	vld.msk [tilespmem:s23+$0x0], $0xff;
	_ =	sdelay $0x4  }
0x159: {  	v63 =	vshll.u32 v3, $0x3  }
0x15a: {  	v3 =	vand.u32 $0x7, v3;
	v4 =	vand.u32 $0xFFFFFFC0, v63  }
0x15b: {  	v3 =	vor.u32 v3, v4  }
0x15c: {  	v3 =	vperm.xlane v3, v0;
	_ =	sdelay $0x1  }
0x15d: {  	v3 =	vadd.s32 v1, v3;
	_ =	sdelay $0x3  }
0x15e: {  	s30 =	simm.s32 $0x1BC00  }
0x15f: {  	[tilespmem:s30], [sflag:$0x2] =	stream.indirect_vreg.gather [hbm4b:s1+s3], $0x80, v3, vm0, $0xb8;
	[tilespmem:$0x1DC00] =	vst v63  }
0x160: {  	p0 =	sne.s32 s24, $0xD9000  }
0x161: {  	[tilespmem:s29], [sflag:$0x2] =	stream.indirect_vreg.gather [hbm4b:s5+s3], $0x80, v3, vm0, $0xb8;
	[tilespmem:$0x1DC00] =	vst v63  }
.Ltmp0:
0x162: {  	_ = 	snop;
	(pc) =	sbr.rel @p0 .LBB2_2-.Ltmp0, $4  }
0x163: {  	s15 =	simm.s32 $0x1C00  }
0x164: {  	[tilespmem:s31], [sflag:$0x2] =	stream.indirect_vreg.gather [hbm4b:s6+s3], $0x80, v3, vm0, $0xb8;
	[tilespmem:$0x1DC00] =	vst v63  }
0x165: {  	s24 =	sadd.s32 $0x3800, s24;
	s2 =	simm.s32 $0xFC00;
	s23 =	sadd.s32 $0x70, s23  }
0x166: {  	[tilespmem:s26], [sflag:$0x2] =	stream.indirect_vreg.gather [hbm4b:s7+s3], $0x80, v3, vm0, $0xb8;
	[tilespmem:$0x1DC00] =	vst v63  }
0x167: {  	_ =	swait.ge [sflag:s19], $0xE000  }
0x168: {  	[sflag:s19] =	ssyncset.done $0x0  }
0x169: {  	s23 =	rddreg [dreg:$0x6];
	[sflag:s19] =	ssyncadd.s32 $0xFFFF2000  }
0x16a: {  	[hbm4b:s23+s3] =	stream.linear.scatter [tilespmem:s15], [sflag:$0x3], $0xE000, $0x38;
	[tilespmem:$0x1DC00] =	vst v63  }
0x16b: {  	_ =	swait.ge [sflag:s20], $0xE000  }
0x16c: {  	[sflag:s20] =	ssyncset.done $0x0  }
0x16d: {  	s24 =	rddreg [dreg:$0x7];
	[sflag:s20] =	ssyncadd.s32 $0xFFFF2000  }
0x16e: {  	[hbm4b:s24+s3] =	stream.linear.scatter [tilespmem:s2], [sflag:$0x4], $0xE000, $0x38;
	[tilespmem:$0x1DC00] =	vst v63  }
0x16f: {  	_ =	swait.ge [sflag:s21], $0xE000  }
0x170: {  	[sflag:s21] =	ssyncset.done $0x0  }
0x171: {  	[sflag:s21] =	ssyncadd.s32 $0xFFFF2000  }
0x172: {  	s28 =	simm.s32 $0x3C00;
	s29 =	simm.s32 $0x4400;
	_ =	swait.ge [sflag:s22], $0xE000  }
0x173: {  	s30 =	simm.s32 $0x4C00;
	s18 =	simm.s32 $0x5400;
	s0 =	rddreg [dreg:$0x9]  }
0x174: {  	s4 =	simm.s32 $0x6400;
	s26 =	rddreg [dreg:$0x8];
	s0 =	sadd.s32 $0x1, s0  }
0x175: {  	s8 =	simm.s32 $0x6C00;
	s9 =	simm.s32 $0x7400;
	p0 =	sne.s32 s0, s26  }
.Ltmp1:
0x176: {  	s10 =	simm.s32 $0x7C00;
	s11 =	simm.s32 $0x8400;
	(pc) =	sbr.rel @p0 .LBB2_1-.Ltmp1, $4  }
0x177: {  	s13 =	simm.s32 $0x8C00;
	s14 =	simm.s32 $0x9400;
	s16 =	simm.s32 $0x9C00  }
0x178: {  	s17 =	simm.s32 $0xA400;
	s12 =	simm.s32 $0xB400;
	[sflag:s22] =	ssyncset.done $0x0  }
0x179: {  	s31 =	simm.s32 $0xBC00;
	s24 =	simm.s32 $0x2C00;
	[sflag:s22] =	ssyncadd.s32 $0xFFFF2000  }
0x17a: {  	[dreg:$0x9] =	wrdreg s0;
	s26 =	simm.s32 $0x3400;
	s0 =	simm.s32 $0x5C00  }
0x17b: {  	_ =	sfence.sel $0x180000  }
0x17c: {  	[bflag:$0x0] =	sbarrier.arrive $0xFFFF  }
0x17d: {  	_ =	strace $0x90000047  }
0x17e: {  	s0 =	stileid.u32;
	[bflag:$0x2] =	sbarrier.arrive $0xFFFF  }
0x17f: {  	p0 =	sne.s32 s0, $0x0;
	s0 =	rddreg [dreg:$0x3]  }
0x180: {  	s0 =	sadd.s32 @!p0 $0x100000, s0  }
0x181: {  	[sflag:s0] =	ssyncadd.tile.s32 @!p0 $0x1;
	_ =	shalt  }
.Lfunc_end2:
_tile_overlayer_lowered:
.L_overlay_start_2:
0x182: {  	(tag) =	ssettag $0x2  }
0x183: {  	s0 =	rddreg [dreg:$0x0];
	s2 =	stileid.u32  }
0x184: {  	s1 =	rddreg [dreg:$0x1];
	p0 =	sne.s32 s2, $0x0  }
0x185: {  	s3 =	rddreg [dreg:$0x2];
	[bflag:$0x3] =	sbarrier.arrive $0xFFFF;
	s2 =	simm.s32 @!p0 $0x1C05  }
0x186: {  	[timem:s3], [sflag:s2] =	dma.local @!p0 [hbm:s0], s1  }
0x187: {  	s0 =	simm.s32 @!p0 $0x5  }
0x188: {  	_ =	swait.ge @!p0 [sflag:s0], s1  }
0x189: {  	s1 =	ssub.s32 @!p0 $0x0, s1;
	[sflag:s0] =	ssyncset.done @!p0 $0x0  }
0x18a: {  	[sflag:s0] =	ssyncadd.s32 @!p0 s1  }
0x18b: {  	[bflag:$0x3] =	sbarrier.arrive $0xFFFF  }
0x18c: {  	_ =	shalt  }

</sc_bundles>
